<compile_context>
chip_gen: v7x
topology: tpu7x:2x2x1
jax: 0.10.2.dev20260603
libtpu: 0.0.44.dev20260713+nightly
codegen_flags: <defaults>
</compile_context>

<pallas_src>
import functools

import jax
import jax.numpy as jnp
from jax import lax
from jax.experimental import pallas as pl
from jax.experimental.pallas import tpu as pltpu
from jax.experimental.pallas import tpu_sc as plsc

_VOCAB = 1000000
_D = 64
_B = 16384
_H = 50

_NC = 2
_NS = 16
_NW = _NC * _NS

_NB = _B * _H
_BPW = _NB // _NW
_CH = 512
_NCH = _BPW // _CH


@jax.jit
def _gather(idx, table):
    mesh = plsc.VectorSubcoreMesh(
        core_axis_name="c", subcore_axis_name="s",
        num_cores=_NC, num_subcores=_NS)

    @functools.partial(
        pl.kernel,
        out_type=jax.ShapeDtypeStruct((_NB, _D), jnp.float32),
        mesh=mesh,
        scratch_types=[
            pltpu.VMEM((_CH,), jnp.int32),
            pltpu.VMEM((_CH,), jnp.int32),
            pltpu.VMEM((_CH, _D), jnp.float32),
            pltpu.VMEM((_CH, _D), jnp.float32),
            pltpu.SemaphoreType.DMA,
            pltpu.SemaphoreType.DMA,
            pltpu.SemaphoreType.DMA,
            pltpu.SemaphoreType.DMA,
            pltpu.SemaphoreType.DMA,
            pltpu.SemaphoreType.DMA,
        ],
        compiler_params=pltpu.CompilerParams(use_tc_tiling_on_sc=False),
    )
    def k(idx_hbm, table_hbm, out_hbm, idx0, idx1, rows0, rows1,
          g0, g1, s0, s1, i0, i1):
        wid = lax.axis_index("s") * _NC + lax.axis_index("c")
        base = wid * _BPW
        idxb = (idx0, idx1)
        rows = (rows0, rows1)
        gsem = (g0, g1)
        ssem = (s0, s1)
        isem = (i0, i1)

        def start_idx(i, b):
            pltpu.async_copy(idx_hbm.at[pl.ds(base + i * _CH, _CH)],
                             idxb[b], isem[b])

        def wait_idx(b):
            pltpu.make_async_copy(idx_hbm.at[pl.ds(base, _CH)],
                                  idxb[b], isem[b]).wait()

        def start_gather(b):
            pltpu.async_copy(table_hbm.at[idxb[b]], rows[b], gsem[b])

        def wait_gather(b):
            pltpu.make_async_copy(table_hbm.at[idxb[b]],
                                  rows[b], gsem[b]).wait()

        def start_scatter(i, b):
            pltpu.async_copy(rows[b], out_hbm.at[pl.ds(base + i * _CH, _CH)],
                             ssem[b])

        def wait_scatter(b):
            pltpu.make_async_copy(rows[b], out_hbm.at[pl.ds(base, _CH)],
                                  ssem[b]).wait()

        def step(i, b):
            ob = 1 - b
            wait_gather(b)
            start_scatter(i, b)

            @pl.when(i + 1 < _NCH)
            def _():
                @pl.when(i > 0)
                def _():
                    wait_scatter(ob)
                wait_idx(ob)
                start_gather(ob)

            @pl.when(i + 2 < _NCH)
            def _():
                start_idx(i + 2, b)

        start_idx(0, 0)
        wait_idx(0)
        start_gather(0)
        start_idx(1, 1)

        def body(j, carry):
            step(2 * j, 0)
            step(2 * j + 1, 1)
            return carry

        lax.fori_loop(0, _NCH // 2, body, 0)
        wait_scatter(0)
        wait_scatter(1)

    return k(idx, table)


def kernel(x, table):
    idx = x.reshape(-1).astype(jnp.int32)
    out = _gather(idx, table)
    return out.reshape(_B, _H, _D)

# --- scband reference (transcript-rebuilt; emitter-appended) ---
"""Pipeline reference for scband-vocab-embedding-5025111736451 (READ-ONLY COPY).

The authoritative reference and input builder live on the scoring server;
editing this copy changes nothing except your own understanding.
"""

import jax, jax.numpy as jnp
import numpy as np

VOCAB = 1000000
EMBED_DIM = 64
BATCH = 16384
HIST = 50

def setup_inputs(seed: int = 0) -> dict:
    key = jax.random.key(seed)
    k_idx, k_tab = jax.random.split(key)
    x = jax.random.randint(k_idx, (BATCH, HIST), 0, VOCAB, dtype=jnp.int64)
    table = jax.random.normal(k_tab, (VOCAB, EMBED_DIM), dtype=jnp.float32) * 0.02
    return {"x": x, "table": table}

def reference(x, table):
    # nn.Embedding lookup: gather rows of the table by index
    return jnp.take(table, x, axis=0)

if __name__ == "__main__":
    import jax
    _d = setup_inputs()
    print(jax.jit(kernel)(*tuple(_d.values())))

</pallas_src>

<mosaic_0001>
#map = affine_map<(d0, d1) -> (0)>
#map1 = affine_map<(d0, d1) -> (0, 0)>
module attributes {stable_mosaic.version = 14 : i64} {
  func.func @k(%arg0: i32, %arg1: i32, %arg2: memref<819200xi32, #tpu.memory_space<hbm>>, %arg3: memref<1000000x64xf32, #tpu.memory_space<hbm>>, %arg4: memref<819200x64xf32, #tpu.memory_space<hbm>>, %arg5: memref<512xi32, #tpu.memory_space<vmem>>, %arg6: memref<512xi32, #tpu.memory_space<vmem>>, %arg7: memref<512x64xf32, #tpu.memory_space<vmem>>, %arg8: memref<512x64xf32, #tpu.memory_space<vmem>>, %arg9: memref<!tpu.dma_semaphore, #tpu.memory_space<semaphore_mem>>, %arg10: memref<!tpu.dma_semaphore, #tpu.memory_space<semaphore_mem>>, %arg11: memref<!tpu.dma_semaphore, #tpu.memory_space<semaphore_mem>>, %arg12: memref<!tpu.dma_semaphore, #tpu.memory_space<semaphore_mem>>, %arg13: memref<!tpu.dma_semaphore, #tpu.memory_space<semaphore_mem>>, %arg14: memref<!tpu.dma_semaphore, #tpu.memory_space<semaphore_mem>>) attributes {dimension_semantics = [#tpu.dimension_semantics<core_parallel>, #tpu.dimension_semantics<subcore_parallel>], iteration_bounds = array<i64: 2, 16>, scalar_prefetch = 0 : i64, scratch_operands = 10 : i64, tpu.core_type = #tpu.core_type<sc_vector_subcore>, window_params = [{transform_indices = #map}, {transform_indices = #map1}, {transform_indices = #map1}]} {
    %mul3A = arith.constant 2 : i32
    %mul3A_0 = arith.muli %arg1, %mul3A : i32
    %add3A = arith.addi %mul3A_0, %arg0 : i32
    %mul3A_1 = arith.constant 25600 : i32
    %mul3A_2 = arith.muli %add3A, %mul3A_1 : i32
    %add3A_3 = arith.constant 0 : i32
    %add3A_4 = arith.addi %mul3A_2, %add3A_3 : i32
    %dma_start3A = tpu.memref_slice %arg2[%add3A_4] : memref<819200xi32, #tpu.memory_space<hbm>> -> memref<512xi32, #tpu.memory_space<hbm>>
    %dma_start3A_5 = tpu.memref_slice %arg2[%add3A_4] : memref<819200xi32, #tpu.memory_space<hbm>> -> memref<512xi32, #tpu.memory_space<hbm>>
    tpu.enqueue_dma source(%dma_start3A_5 : memref<512xi32, #tpu.memory_space<hbm>>) target(%arg5 : memref<512xi32, #tpu.memory_space<vmem>>) target_semaphore(%arg13 : memref<!tpu.dma_semaphore, #tpu.memory_space<semaphore_mem>>)
    %dma_wait3A = tpu.memref_slice %arg2[%mul3A_2] : memref<819200xi32, #tpu.memory_space<hbm>> -> memref<512xi32, #tpu.memory_space<hbm>>
    %dma_wait3A_6 = tpu.memref_slice %arg2[%mul3A_2] : memref<819200xi32, #tpu.memory_space<hbm>> -> memref<512xi32, #tpu.memory_space<hbm>>
    tpu.wait_dma2 semaphore(%arg13 : memref<!tpu.dma_semaphore, #tpu.memory_space<semaphore_mem>>) src(%dma_wait3A_6 : memref<512xi32, #tpu.memory_space<hbm>>) dst(%arg5 : memref<512xi32, #tpu.memory_space<vmem>>)
    %dma_start3A_7 = arith.constant 0 : i32
    %dma_start3A_8 = arith.constant 0 : i32
    %dma_start3A_9 = tpu.memref_slice %arg3[%dma_start3A_7, %dma_start3A_8] : memref<1000000x64xf32, #tpu.memory_space<hbm>> -> memref<1000000x64xf32, #tpu.memory_space<hbm>>
    tpu.enqueue_indirect_dma source(%dma_start3A_9 : memref<1000000x64xf32, #tpu.memory_space<hbm>>) target(%arg7 : memref<512x64xf32, #tpu.memory_space<vmem>>) offsets(%arg5 : memref<512xi32, #tpu.memory_space<vmem>>) semaphore(%arg9 : memref<!tpu.dma_semaphore, #tpu.memory_space<semaphore_mem>>)
    %add3A_10 = arith.constant 512 : i32
    %add3A_11 = arith.addi %mul3A_2, %add3A_10 : i32
    %dma_start3A_12 = tpu.memref_slice %arg2[%add3A_11] : memref<819200xi32, #tpu.memory_space<hbm>> -> memref<512xi32, #tpu.memory_space<hbm>>
    %dma_start3A_13 = tpu.memref_slice %arg2[%add3A_11] : memref<819200xi32, #tpu.memory_space<hbm>> -> memref<512xi32, #tpu.memory_space<hbm>>
    tpu.enqueue_dma source(%dma_start3A_13 : memref<512xi32, #tpu.memory_space<hbm>>) target(%arg6 : memref<512xi32, #tpu.memory_space<vmem>>) target_semaphore(%arg14 : memref<!tpu.dma_semaphore, #tpu.memory_space<semaphore_mem>>)
    %scan3A = arith.constant 0 : i32
    %scan3A_14 = arith.constant 0 : i32
    %scan3A_15 = arith.constant 25 : i32
    %scan3A_16 = arith.addi %scan3A_14, %scan3A_15 : i32
    %scan3A_17 = arith.constant 1 : i32
    scf.for %scan3A_27 = %scan3A_14 to %scan3A_16 step %scan3A_17  : i32 {
      %mul3A_28 = arith.constant 2 : i32
      %mul3A_29 = arith.muli %mul3A_28, %scan3A_27 : i32
      %dma_wait3A_30 = arith.constant 0 : i32
      %dma_wait3A_31 = arith.constant 0 : i32
      %dma_wait3A_32 = tpu.memref_slice %arg3[%dma_wait3A_30, %dma_wait3A_31] : memref<1000000x64xf32, #tpu.memory_space<hbm>> -> memref<1000000x64xf32, #tpu.memory_space<hbm>>
      tpu.wait_indirect_dma semaphore(%arg9 : memref<!tpu.dma_semaphore, #tpu.memory_space<semaphore_mem>>) src(%dma_wait3A_32 : memref<1000000x64xf32, #tpu.memory_space<hbm>>) dst(%arg7 : memref<512x64xf32, #tpu.memory_space<vmem>>)
      %mul3A_33 = arith.constant 512 : i32
      %mul3A_34 = arith.muli %mul3A_29, %mul3A_33 : i32
      %add3A_35 = arith.addi %mul3A_2, %mul3A_34 : i32
      %dma_start3A_36 = arith.constant 0 : i32
      %dma_start3A_37 = tpu.memref_slice %arg4[%add3A_35, %dma_start3A_36] : memref<819200x64xf32, #tpu.memory_space<hbm>> -> memref<512x64xf32, #tpu.memory_space<hbm>>
      %dma_start3A_38 = arith.constant 0 : i32
      %dma_start3A_39 = tpu.memref_slice %arg4[%add3A_35, %dma_start3A_38] : memref<819200x64xf32, #tpu.memory_space<hbm>> -> memref<512x64xf32, #tpu.memory_space<hbm>>
      tpu.enqueue_dma source(%arg7 : memref<512x64xf32, #tpu.memory_space<vmem>>) target(%dma_start3A_39 : memref<512x64xf32, #tpu.memory_space<hbm>>) target_semaphore(%arg11 : memref<!tpu.dma_semaphore, #tpu.memory_space<semaphore_mem>>)
      %add3A_40 = arith.constant 1 : i32
      %add3A_41 = arith.addi %mul3A_29, %add3A_40 : i32
      %lt3A = arith.constant 50 : i32
      %lt3A_42 = arith.cmpi slt, %add3A_41, %lt3A : i32
      %convert_element_type3A = arith.extui %lt3A_42 : i1 to i32
      %cond3A = arith.constant 0 : i32
      %cond3A_43 = arith.cmpi ne, %convert_element_type3A, %cond3A : i32
      scf.if %cond3A_43 {
        %gt3A = arith.constant 0 : i32
        %gt3A_79 = arith.cmpi sgt, %mul3A_29, %gt3A : i32
        %convert_element_type3A_80 = arith.extui %gt3A_79 : i1 to i32
        %cond3A_81 = arith.constant 0 : i32
        %cond3A_82 = arith.cmpi ne, %convert_element_type3A_80, %cond3A_81 : i32
        scf.if %cond3A_82 {
          %dma_wait3A_88 = arith.constant 0 : i32
          %dma_wait3A_89 = tpu.memref_slice %arg4[%mul3A_2, %dma_wait3A_88] : memref<819200x64xf32, #tpu.memory_space<hbm>> -> memref<512x64xf32, #tpu.memory_space<hbm>>
          %dma_wait3A_90 = arith.constant 0 : i32
          %dma_wait3A_91 = tpu.memref_slice %arg4[%mul3A_2, %dma_wait3A_90] : memref<819200x64xf32, #tpu.memory_space<hbm>> -> memref<512x64xf32, #tpu.memory_space<hbm>>
          tpu.wait_dma2 semaphore(%arg12 : memref<!tpu.dma_semaphore, #tpu.memory_space<semaphore_mem>>) src(%arg8 : memref<512x64xf32, #tpu.memory_space<vmem>>) dst(%dma_wait3A_91 : memref<512x64xf32, #tpu.memory_space<hbm>>)
        } else {
        }
        %dma_wait3A_83 = tpu.memref_slice %arg2[%mul3A_2] : memref<819200xi32, #tpu.memory_space<hbm>> -> memref<512xi32, #tpu.memory_space<hbm>>
        %dma_wait3A_84 = tpu.memref_slice %arg2[%mul3A_2] : memref<819200xi32, #tpu.memory_space<hbm>> -> memref<512xi32, #tpu.memory_space<hbm>>
        tpu.wait_dma2 semaphore(%arg14 : memref<!tpu.dma_semaphore, #tpu.memory_space<semaphore_mem>>) src(%dma_wait3A_84 : memref<512xi32, #tpu.memory_space<hbm>>) dst(%arg6 : memref<512xi32, #tpu.memory_space<vmem>>)
        %dma_start3A_85 = arith.constant 0 : i32
        %dma_start3A_86 = arith.constant 0 : i32
        %dma_start3A_87 = tpu.memref_slice %arg3[%dma_start3A_85, %dma_start3A_86] : memref<1000000x64xf32, #tpu.memory_space<hbm>> -> memref<1000000x64xf32, #tpu.memory_space<hbm>>
        tpu.enqueue_indirect_dma source(%dma_start3A_87 : memref<1000000x64xf32, #tpu.memory_space<hbm>>) target(%arg8 : memref<512x64xf32, #tpu.memory_space<vmem>>) offsets(%arg6 : memref<512xi32, #tpu.memory_space<vmem>>) semaphore(%arg10 : memref<!tpu.dma_semaphore, #tpu.memory_space<semaphore_mem>>)
      } else {
      }
      %add3A_44 = arith.constant 2 : i32
      %add3A_45 = arith.addi %mul3A_29, %add3A_44 : i32
      %lt3A_46 = arith.constant 50 : i32
      %lt3A_47 = arith.cmpi slt, %add3A_45, %lt3A_46 : i32
      %convert_element_type3A_48 = arith.extui %lt3A_47 : i1 to i32
      %cond3A_49 = arith.constant 0 : i32
      %cond3A_50 = arith.cmpi ne, %convert_element_type3A_48, %cond3A_49 : i32
      scf.if %cond3A_50 {
        %add3A_79 = arith.constant 2 : i32
        %add3A_80 = arith.addi %mul3A_29, %add3A_79 : i32
        %mul3A_81 = arith.constant 512 : i32
        %mul3A_82 = arith.muli %add3A_80, %mul3A_81 : i32
        %add3A_83 = arith.addi %mul3A_2, %mul3A_82 : i32
        %dma_start3A_84 = tpu.memref_slice %arg2[%add3A_83] : memref<819200xi32, #tpu.memory_space<hbm>> -> memref<512xi32, #tpu.memory_space<hbm>>
        %dma_start3A_85 = tpu.memref_slice %arg2[%add3A_83] : memref<819200xi32, #tpu.memory_space<hbm>> -> memref<512xi32, #tpu.memory_space<hbm>>
        tpu.enqueue_dma source(%dma_start3A_85 : memref<512xi32, #tpu.memory_space<hbm>>) target(%arg5 : memref<512xi32, #tpu.memory_space<vmem>>) target_semaphore(%arg13 : memref<!tpu.dma_semaphore, #tpu.memory_space<semaphore_mem>>)
      } else {
      }
      %mul3A_51 = arith.constant 2 : i32
      %mul3A_52 = arith.muli %mul3A_51, %scan3A_27 : i32
      %add3A_53 = arith.constant 1 : i32
      %add3A_54 = arith.addi %mul3A_52, %add3A_53 : i32
      %dma_wait3A_55 = arith.constant 0 : i32
      %dma_wait3A_56 = arith.constant 0 : i32
      %dma_wait3A_57 = tpu.memref_slice %arg3[%dma_wait3A_55, %dma_wait3A_56] : memref<1000000x64xf32, #tpu.memory_space<hbm>> -> memref<1000000x64xf32, #tpu.memory_space<hbm>>
      tpu.wait_indirect_dma semaphore(%arg10 : memref<!tpu.dma_semaphore, #tpu.memory_space<semaphore_mem>>) src(%dma_wait3A_57 : memref<1000000x64xf32, #tpu.memory_space<hbm>>) dst(%arg8 : memref<512x64xf32, #tpu.memory_space<vmem>>)
      %mul3A_58 = arith.constant 512 : i32
      %mul3A_59 = arith.muli %add3A_54, %mul3A_58 : i32
      %add3A_60 = arith.addi %mul3A_2, %mul3A_59 : i32
      %dma_start3A_61 = arith.constant 0 : i32
      %dma_start3A_62 = tpu.memref_slice %arg4[%add3A_60, %dma_start3A_61] : memref<819200x64xf32, #tpu.memory_space<hbm>> -> memref<512x64xf32, #tpu.memory_space<hbm>>
      %dma_start3A_63 = arith.constant 0 : i32
      %dma_start3A_64 = tpu.memref_slice %arg4[%add3A_60, %dma_start3A_63] : memref<819200x64xf32, #tpu.memory_space<hbm>> -> memref<512x64xf32, #tpu.memory_space<hbm>>
      tpu.enqueue_dma source(%arg8 : memref<512x64xf32, #tpu.memory_space<vmem>>) target(%dma_start3A_64 : memref<512x64xf32, #tpu.memory_space<hbm>>) target_semaphore(%arg12 : memref<!tpu.dma_semaphore, #tpu.memory_space<semaphore_mem>>)
      %add3A_65 = arith.constant 1 : i32
      %add3A_66 = arith.addi %add3A_54, %add3A_65 : i32
      %lt3A_67 = arith.constant 50 : i32
      %lt3A_68 = arith.cmpi slt, %add3A_66, %lt3A_67 : i32
      %convert_element_type3A_69 = arith.extui %lt3A_68 : i1 to i32
      %cond3A_70 = arith.constant 0 : i32
      %cond3A_71 = arith.cmpi ne, %convert_element_type3A_69, %cond3A_70 : i32
      scf.if %cond3A_71 {
        %gt3A = arith.constant 0 : i32
        %gt3A_79 = arith.cmpi sgt, %add3A_54, %gt3A : i32
        %convert_element_type3A_80 = arith.extui %gt3A_79 : i1 to i32
        %cond3A_81 = arith.constant 0 : i32
        %cond3A_82 = arith.cmpi ne, %convert_element_type3A_80, %cond3A_81 : i32
        scf.if %cond3A_82 {
          %dma_wait3A_88 = arith.constant 0 : i32
          %dma_wait3A_89 = tpu.memref_slice %arg4[%mul3A_2, %dma_wait3A_88] : memref<819200x64xf32, #tpu.memory_space<hbm>> -> memref<512x64xf32, #tpu.memory_space<hbm>>
          %dma_wait3A_90 = arith.constant 0 : i32
          %dma_wait3A_91 = tpu.memref_slice %arg4[%mul3A_2, %dma_wait3A_90] : memref<819200x64xf32, #tpu.memory_space<hbm>> -> memref<512x64xf32, #tpu.memory_space<hbm>>
          tpu.wait_dma2 semaphore(%arg11 : memref<!tpu.dma_semaphore, #tpu.memory_space<semaphore_mem>>) src(%arg7 : memref<512x64xf32, #tpu.memory_space<vmem>>) dst(%dma_wait3A_91 : memref<512x64xf32, #tpu.memory_space<hbm>>)
        } else {
        }
        %dma_wait3A_83 = tpu.memref_slice %arg2[%mul3A_2] : memref<819200xi32, #tpu.memory_space<hbm>> -> memref<512xi32, #tpu.memory_space<hbm>>
        %dma_wait3A_84 = tpu.memref_slice %arg2[%mul3A_2] : memref<819200xi32, #tpu.memory_space<hbm>> -> memref<512xi32, #tpu.memory_space<hbm>>
        tpu.wait_dma2 semaphore(%arg13 : memref<!tpu.dma_semaphore, #tpu.memory_space<semaphore_mem>>) src(%dma_wait3A_84 : memref<512xi32, #tpu.memory_space<hbm>>) dst(%arg5 : memref<512xi32, #tpu.memory_space<vmem>>)
        %dma_start3A_85 = arith.constant 0 : i32
        %dma_start3A_86 = arith.constant 0 : i32
        %dma_start3A_87 = tpu.memref_slice %arg3[%dma_start3A_85, %dma_start3A_86] : memref<1000000x64xf32, #tpu.memory_space<hbm>> -> memref<1000000x64xf32, #tpu.memory_space<hbm>>
        tpu.enqueue_indirect_dma source(%dma_start3A_87 : memref<1000000x64xf32, #tpu.memory_space<hbm>>) target(%arg7 : memref<512x64xf32, #tpu.memory_space<vmem>>) offsets(%arg5 : memref<512xi32, #tpu.memory_space<vmem>>) semaphore(%arg9 : memref<!tpu.dma_semaphore, #tpu.memory_space<semaphore_mem>>)
      } else {
      }
      %add3A_72 = arith.constant 2 : i32
      %add3A_73 = arith.addi %add3A_54, %add3A_72 : i32
      %lt3A_74 = arith.constant 50 : i32
      %lt3A_75 = arith.cmpi slt, %add3A_73, %lt3A_74 : i32
      %convert_element_type3A_76 = arith.extui %lt3A_75 : i1 to i32
      %cond3A_77 = arith.constant 0 : i32
      %cond3A_78 = arith.cmpi ne, %convert_element_type3A_76, %cond3A_77 : i32
      scf.if %cond3A_78 {
        %add3A_79 = arith.constant 2 : i32
        %add3A_80 = arith.addi %add3A_54, %add3A_79 : i32
        %mul3A_81 = arith.constant 512 : i32
        %mul3A_82 = arith.muli %add3A_80, %mul3A_81 : i32
        %add3A_83 = arith.addi %mul3A_2, %mul3A_82 : i32
        %dma_start3A_84 = tpu.memref_slice %arg2[%add3A_83] : memref<819200xi32, #tpu.memory_space<hbm>> -> memref<512xi32, #tpu.memory_space<hbm>>
        %dma_start3A_85 = tpu.memref_slice %arg2[%add3A_83] : memref<819200xi32, #tpu.memory_space<hbm>> -> memref<512xi32, #tpu.memory_space<hbm>>
        tpu.enqueue_dma source(%dma_start3A_85 : memref<512xi32, #tpu.memory_space<hbm>>) target(%arg6 : memref<512xi32, #tpu.memory_space<vmem>>) target_semaphore(%arg14 : memref<!tpu.dma_semaphore, #tpu.memory_space<semaphore_mem>>)
      } else {
      }
    }
    %scan3A_18 = arith.constant 25 : i32
    %dma_wait3A_19 = arith.constant 0 : i32
    %dma_wait3A_20 = tpu.memref_slice %arg4[%mul3A_2, %dma_wait3A_19] : memref<819200x64xf32, #tpu.memory_space<hbm>> -> memref<512x64xf32, #tpu.memory_space<hbm>>
    %dma_wait3A_21 = arith.constant 0 : i32
    %dma_wait3A_22 = tpu.memref_slice %arg4[%mul3A_2, %dma_wait3A_21] : memref<819200x64xf32, #tpu.memory_space<hbm>> -> memref<512x64xf32, #tpu.memory_space<hbm>>
    tpu.wait_dma2 semaphore(%arg11 : memref<!tpu.dma_semaphore, #tpu.memory_space<semaphore_mem>>) src(%arg7 : memref<512x64xf32, #tpu.memory_space<vmem>>) dst(%dma_wait3A_22 : memref<512x64xf32, #tpu.memory_space<hbm>>)
    %dma_wait3A_23 = arith.constant 0 : i32
    %dma_wait3A_24 = tpu.memref_slice %arg4[%mul3A_2, %dma_wait3A_23] : memref<819200x64xf32, #tpu.memory_space<hbm>> -> memref<512x64xf32, #tpu.memory_space<hbm>>
    %dma_wait3A_25 = arith.constant 0 : i32
    %dma_wait3A_26 = tpu.memref_slice %arg4[%mul3A_2, %dma_wait3A_25] : memref<819200x64xf32, #tpu.memory_space<hbm>> -> memref<512x64xf32, #tpu.memory_space<hbm>>
    tpu.wait_dma2 semaphore(%arg12 : memref<!tpu.dma_semaphore, #tpu.memory_space<semaphore_mem>>) src(%arg8 : memref<512x64xf32, #tpu.memory_space<vmem>>) dst(%dma_wait3A_26 : memref<512x64xf32, #tpu.memory_space<hbm>>)
    return
  }
}

</mosaic_0001>

<sc_bundles>
// kernel: _gather.3.cloned.1.call-start
scs
__scs_entry_jumppad:
0x0: {  	(pc) =	sbr.rel $0x88, $3  }
0x1: {  	(tag) =	ssettag $0x0;
	lr =	simm.s32 $0x1  }
0x2: {  	[smem:$0x3F9F] =	sst lr;
	_ =	strace $0xD0000000  }
0x3: {  	_ = 	snop  }
0x4: {  	_ = 	snop  }
0x5: {  	_ = 	snop  }
0x6: {  	_ = 	snop  }
0x7: {  	_ = 	snop  }
__scs_overlays_trampoline_lowered:
0x8: {  	[smem:$0x3FAE] =	sst s0  }
0x9: {  	[smem:$0x3FAF] =	sst s1  }
0xa: {  	[smem:$0x3FB0] =	sst s2  }
0xb: {  	[smem:$0x3FB1] =	sst s3  }
0xc: {  	[smem:$0x3FB2] =	sst s4  }
0xd: {  	[smem:$0x3FB3] =	sst s5  }
0xe: {  	[smem:$0x3FB4] =	sst s6  }
0xf: {  	[smem:$0x3FB5] =	sst s7  }
0x10: {  	[smem:$0x3FB6] =	sst s8  }
0x11: {  	[smem:$0x3FB7] =	sst s9;
	s0 =	simm.s32 @!p0 $0x0  }
0x12: {  	s1 =	sld [smem:$0x3F9D];
	s0 =	simm.s32 @p0 $0x1  }
0x13: {  	[smem:$0x3FB8] =	sst s0;
	s0 =	simm.s32 @!p1 $0x0  }
0x14: {  	s2 =	sld [smem:$0x3F9C];
	s0 =	simm.s32 @p1 $0x1  }
0x15: {  	[smem:$0x3FB9] =	sst s0;
	s0 =	simm.s32 @!p2 $0x0  }
0x16: {  	s3 =	sld [smem:$0x3FDB];
	s0 =	simm.s32 @p2 $0x1  }
0x17: {  	s4 =	simm.s32 $0x1BF5;
	[smem:$0x3FBB] =	sst s0  }
0x18: {  	s0 =	sld [smem:$0x3F9E];
	_ =	swait.ge [sflag:s4], $0x0  }
0x19: {  	s7 =	sld [smem:$0x3F9F]  }
0x1a: {  	s8 =	sadd.s32 $0xFFFFE003, lr  }
0x1b: {  	s9 =	sadd.s32 $0xFFFFFEF7, lr;
	s5 =	simm.s32 $0xFFFFFFFF;
	p2 =	slt.u32 s8, $0xFFFFF086  }
0x1c: {  	p1 =	slt.u32 s9, $0xF7A;
	s5 =	simm.s32 @!p2 $0x0  }
0x1d: {  	s5 =	simm.s32 @p1 $0x1;
	p0 =	seq.s32 s7, s2  }
0x1e: {  	s7 =	smul.u32 @!p0 $0xF7A, s2;
	p2 =	seq.s32 @!p0 s5, $0x0  }
0x1f: {  	s9 =	smul.u32 $0xF7A, s1;
	s8 =	simm.s32 @!p0 $0x1BF5;
	p2 =	por !p2, p0  }
0x20: {  	[sflag:s8] =	ssyncset.s32 @!p0 $0xFFFFF086;
	s6 =	sadd.s32 @!p0 s3, s7;
	s7 =	simm.s32 @!p0 $0x108  }
0x21: {  	s3 =	sadd.s32 s3, s9;
	s6 =	sadd.s32 @!p0 $0x88, s6;
	s7 =	simm.s32 @p2 $0x1082  }
0x22: {  	[simem:s7], [sflag:s8] =	dma.local @!p0 [hbm:s6], $0xF7A  }
0x23: {  	s9 =	sor.u32 $0xD0000000, s2;
	s6 =	simm.s32 $0x108;
	_ =	swait.ge @!p0 [sflag:s8], $0x0  }
0x24: {  	s3 =	sadd.s32 $0x88, s3;
	s6 =	simm.s32 @!p1 $0x1082;
	[sflag:s4] =	ssyncset.s32 $0xFFFFF086  }
0x25: {  	[simem:s6], [sflag:s4] =	dma.local [hbm:s3], $0xF7A  }
0x26: {  	[smem:$0x3F9F] =	sst s1;
	(tag) =	ssettag s2;
	_ =	strace s9  }
0x27: {  	s1 =	sld [smem:$0x3FAF]  }
0x28: {  	s2 =	sld [smem:$0x3FB0]  }
0x29: {  	s4 =	sld [smem:$0x3FB2]  }
0x2a: {  	p0 =	seq.s32 s5, $0x0;
	s5 =	sld [smem:$0x3FB3]  }
0x2b: {  	s6 =	sld [smem:$0x3FB4]  }
0x2c: {  	s7 =	sld [smem:$0x3FB5]  }
0x2d: {  	s3 =	simm.s32 $0x108;
	s8 =	sld [smem:$0x3FB6]  }
0x2e: {  	s3 =	simm.s32 @!p0 $0x1082;
	s9 =	sld [smem:$0x3FB7]  }
0x2f: {  	lr =	sadd.s32 s0, s3;
	s0 =	sld [smem:$0x3FAE]  }
0x30: {  	s3 =	sld [smem:$0x3FB1]  }
0x31: {  	[smem:$0x3FBA] =	sst s10  }
0x32: {  	s10 =	sld [smem:$0x3FB8];
	_ =	sdelay $0x3  }
0x33: {  	p0 =	seq.s32 s10, $0x1;
	s10 =	sld [smem:$0x3FBA];
	_ =	sdelay $0x3  }
0x34: {  	[smem:$0x3FBA] =	sst s10  }
0x35: {  	s10 =	sld [smem:$0x3FB9];
	_ =	sdelay $0x3  }
0x36: {  	p1 =	seq.s32 s10, $0x1;
	s10 =	sld [smem:$0x3FBA];
	_ =	sdelay $0x3  }
0x37: {  	[smem:$0x3FBA] =	sst s10  }
0x38: {  	s10 =	sld [smem:$0x3FBB]  }
0x39: {  	_ = 	snop;
	(pc) =	sbr.ind lr, $3  }
0x3a: {  	_ = 	snop  }
0x3b: {  	_ = 	snop  }
0x3c: {  	p2 =	seq.s32 s10, $0x1;
	s10 =	sld [smem:$0x3FBA]  }
0x3d: {  	_ =	shalt  }
0x3e: {  	_ =	shalt  }
0x3f: {  	_ =	shalt  }
0x40: {  	_ =	shalt  }
0x41: {  	_ =	shalt  }
0x42: {  	_ =	shalt  }
0x43: {  	_ =	shalt  }
0x44: {  	_ =	shalt  }
0x45: {  	_ =	shalt  }
0x46: {  	_ =	shalt  }
0x47: {  	_ =	shalt  }
0x48: {  	_ =	shalt  }
0x49: {  	_ =	shalt  }
0x4a: {  	_ =	shalt  }
0x4b: {  	_ =	shalt  }
0x4c: {  	_ =	shalt  }
0x4d: {  	_ =	shalt  }
0x4e: {  	_ =	shalt  }
0x4f: {  	_ =	shalt  }
0x50: {  	_ =	shalt  }
0x51: {  	_ =	shalt  }
0x52: {  	_ =	shalt  }
0x53: {  	_ =	shalt  }
0x54: {  	_ =	shalt  }
0x55: {  	_ =	shalt  }
0x56: {  	_ =	shalt  }
0x57: {  	_ =	shalt  }
0x58: {  	_ =	shalt  }
0x59: {  	_ =	shalt  }
0x5a: {  	_ =	shalt  }
0x5b: {  	_ =	shalt  }
0x5c: {  	_ =	shalt  }
0x5d: {  	_ =	shalt  }
0x5e: {  	_ =	shalt  }
0x5f: {  	_ =	shalt  }
0x60: {  	_ =	shalt  }
0x61: {  	_ =	shalt  }
0x62: {  	_ =	shalt  }
0x63: {  	_ =	shalt  }
0x64: {  	_ =	shalt  }
0x65: {  	_ =	shalt  }
0x66: {  	_ =	shalt  }
0x67: {  	_ =	shalt  }
0x68: {  	_ =	shalt  }
0x69: {  	_ =	shalt  }
0x6a: {  	_ =	shalt  }
0x6b: {  	_ =	shalt  }
0x6c: {  	_ =	shalt  }
0x6d: {  	_ =	shalt  }
0x6e: {  	_ =	shalt  }
0x6f: {  	_ =	shalt  }
0x70: {  	_ =	shalt  }
0x71: {  	_ =	shalt  }
0x72: {  	_ =	shalt  }
0x73: {  	_ =	shalt  }
0x74: {  	_ =	shalt  }
0x75: {  	_ =	shalt  }
0x76: {  	_ =	shalt  }
0x77: {  	_ =	shalt  }
0x78: {  	_ =	shalt  }
0x79: {  	_ =	shalt  }
0x7a: {  	_ =	shalt  }
0x7b: {  	_ =	shalt  }
0x7c: {  	_ =	shalt  }
0x7d: {  	_ =	shalt  }
0x7e: {  	_ =	shalt  }
0x7f: {  	_ =	shalt  }
0x80: {  	_ =	shalt  }
0x81: {  	_ =	shalt  }
0x82: {  	_ =	shalt  }
0x83: {  	_ =	shalt  }
0x84: {  	_ =	shalt  }
0x85: {  	_ =	shalt  }
0x86: {  	_ =	shalt  }
0x87: {  	_ =	shalt  }
.Lfunc_end0:
.L_simem_size_0:
called_computation.1_lowered:
.L_overlay_start_0:
0x88: {  	s2 =	sld [smem:$0x3FD9]  }
0x89: {  	s3 =	sld [smem:$0x3FFE];
	_ =	sdelay $0x1  }
0x8a: {  	s1 =	srdreg.scid  }
0x8b: {  	s0 =	sand.u32 $0x1, s1  }
0x8c: {  	s17 =	sshll.u32 s0, $0xA;
	s2 =	sadd.s32 s3, s2  }
0x8d: {  	s2 =	sadd.s32 s2, s17  }
0x8e: {  	[smem:$0x3FC6] =	sst s2  }
0x8f: {  	_ = 	snop  }
0x90: {  	s2 =	sld [smem:$0x3FC9]  }
0x91: {  	s18 =	sld [smem:$0x3FD0];
	(tm) =	ssettm $0x1  }
0x92: {  	s4 =	sld [smem:$0x3FFB];
	_ =	sdelay $0x3  }
0x93: {  	_ =	strace s4  }
0x94: {  	s4 =	sld [smem:$0x3FFC];
	_ =	sdelay $0x3  }
0x95: {  	_ =	strace s4  }
0x96: {  	s4 =	sld [smem:$0x3FFD];
	_ =	sdelay $0x3  }
0x97: {  	_ =	strace s4  }
0x98: {  	_ =	strace $0x8FFFFFFF  }
0x99: {  	s19 =	sld [smem:$0x3FDB];
	_ =	sdelay $0x1  }
0x9a: {  	s5 =	simm.s32 $_scs_section_size  }
0x9b: {  	s6 =	simm.s32 $_size__tile_overlayer_lowered;
	s7 =	simm.s32 $_tile_overlayer_lowered  }
0x9c: {  	s22 =	simm.s32 $0x1BFF;
	s21 =	sshll.u32 s7, $0x1;
	s4 =	sadd.s32 s5, s19  }
0x9d: {  	s8 =	simm.s32 $0x0;
	s20 =	sshll.u32 s6, $0x1;
	s6 =	sadd.s32 s21, s4  }
0x9e: {  	[timem:s8], [sflag:s22] =	dma.local [hbm:s6], s20  }
0x9f: {  	_ =	swait.ge [sflag:s22], s20  }
0xa0: {  	s5 =	ssub.s32 $0x0, s20;
	[sflag:s22] =	ssyncset.done $0x0  }
0xa1: {  	[sflag:s22] =	ssyncadd.s32 s5;
	_ =	sdelay $0x1  }
0xa2: {  	s23 =	simm.s32 $0x1B8B  }
0xa3: {  	_ =	swait.ge [sflag:s23], $0x1  }
0xa4: {  	[sflag:s23] =	ssyncset.done $0x0  }
0xa5: {  	s25 =	simm.s32 $0x1B8E;
	s24 =	sld [smem:$0x3FFE];
	[sflag:s23] =	ssyncadd.s32 $0xFFFFFFFF  }
0xa6: {  	s26 =	simm.s32 $execute0_lowered;
	[smem:$0x3FD2] =	sst s25  }
0xa7: {  	s6 =	sshll.u32 s26, $0x1;
	_ =	strace $0x80000046;
	[dreg:$0x1] =	wrdreg $0xFFFFFFFF  }
0xa8: {  	s28 =	simm.s32 $_size_execute0_lowered;
	s4 =	sadd.s32 s4, s6;
	[dreg:$0x0] =	wrdreg $0x0  }
0xa9: {  	s6 =	sshll.u32 s28, $0x1;
	[dreg:$0x2] =	wrdreg s4  }
0xaa: {  	[dreg:$0x3] =	wrdreg s6  }
0xab: {  	[dreg:$0x4] =	wrdreg $0xC0  }
0xac: {  	_ =	task [dreg:s8], $0x5FFFF  }
0xad: {  	[dreg:$0x1] =	wrdreg $0xFFFFFFFF  }
0xae: {  	[dreg:$0x0] =	wrdreg $0x60  }
0xaf: {  	[dreg:$0x2] =	wrdreg s2  }
0xb0: {  	[dreg:$0x3] =	wrdreg s24  }
0xb1: {  	[dreg:$0x4] =	wrdreg s18  }
0xb2: {  	[dreg:$0x5] =	wrdreg $0x9  }
0xb3: {  	_ =	task.clear_ibuf [dreg:s8], $0x6FFFF;
	_ =	strace $0x90000046  }
0xb4: {  	s29 =	simm.s32 $0x9;
	_ =	strace $0x80000048  }
0xb5: {  	_ =	swait.ge [sflag:s29], $0x1  }
0xb6: {  	[sflag:s29] =	ssyncadd.s32 $0xFFFFFFFF  }
0xb7: {  	_ =	strace $0x90000048  }
0xb8: {  	_ =	sfence  }
0xb9: {  	s30 =	sld [smem:$0x0];
	_ =	sdelay $0x2  }
0xba: {  	s31 =	sshll.u32 s1, $0xD;
	s1 =	sshrl.u32 s1, $0x2  }
0xbb: {  	s3 =	sand.u32 $0x4000, s31;
	s1 =	sadd.s32 s1, s30  }
0xbc: {  	s0 =	sor.u32 s3, s0;
	s1 =	sshll.u32 s1, $0x11  }
0xbd: {  	s0 =	sor.u32 s1, s0  }
0xbe: {  	s0 =	sadd.s32 $0x8F2B, s0  }
0xbf: {  	[sflag:s0] =	ssyncadd.remote.s32 $0x1  }
0xc0: {  	_ =	sfence.sel $0xFFFF  }
0xc1: {  	[dreg:$0x0] =	wrdreg $0xFFFFFFFF;
	(pc) =	sbr.abs _section_cstart, $3  }
0xc2: {  	[dreg:$0x1] =	wrdreg $0xFFFFFFFF  }
0xc3: {  	_ =	task.clear_ibuf [dreg:s8], $0x2FFFF;
	_ =	strace $0x9FFFFFFF  }
0xc4: {  	(tm) =	ssettm $0x7FFFFFFF  }
0xc5: {  	_ =	shalt  }
tec
execute0_lowered:
.L_overlay_start_1:
0x0: {  	(tag) =	ssettag $0x1  }
0x1: {  	s16 =	rddreg [dreg:$0x0]  }
0x2: {  	s4 =	rddreg [dreg:$0x1];
	s1 =	srdreg.scid  }
0x3: {  	s0 =	stileid.u32;
	s2 =	rddreg [dreg:$0x2];
	s3 =	simm.s32 $0x0  }
0x4: {  	s19 =	simm.s32 $0x400;
	s20 =	simm.s32 $0x1;
	s21 =	simm.s32 $0x6  }
0x5: {  	s22 =	simm.s32 $0x8400;
	s23 =	simm.s32 $0x2;
	s12 =	smul.u32 $0x320000, s0  }
0x6: {  	s24 =	simm.s32 $0x3;
	s10 =	sand.u32 $0x1, s1;
	s14 =	smul.u32 $0xC800, s0  }
0x7: {  	s25 =	simm.s32 $0x4;
	s5 =	sshll.u32 s0, $0x1;
	s13 =	smul.u32 $0x190000, s10  }
0x8: {  	s1 =	rddreg [dreg:$0x3];
	s5 =	sor.u32 s10, s5;
	s28 =	smul.u32 $0x6400, s10  }
0x9: {  	[smem:$0x7FF] =	sst s3;
	s7 =	ssub.s32 $0x2, s10;
	s6 =	smul.u32 $0x6400, s5  }
0xa: {  	s4 =	sadd.s32 $0xF42C00, s4;
	s8 =	sshrl.u32 s7, $0x1;
	s9 =	smul.u32 $0x190000, s5  }
0xb: {  	_ =	strace $0x80000047;
	s7 =	ssub.s32 s7, s8;
	s15 =	sadd.s32 s13, s12  }
0xc: {  	s14 =	sadd.s32 s28, s14;
	s6 =	sshrl.u32 s6, $0x3;
	s11 =	sor.u32 $0x8000, s9  }
0xd: {  	s7 =	smax.u32 s7, $0x1;
	s26 =	sshrl.u32 s9, $0x3;
	s17 =	sadd.s32 $0x18000, s15  }
0xe: {  	s29 =	sadd.s32 $0xA00, s14;
	s18 =	sadd.s32 $0x800, s14;
	s14 =	sadd.s32 $0x10000, s15  }
0xf: {  	s5 =	sadd.s32 s16, s6;
	s8 =	sadd.s32 s2, s26;
	s11 =	sshrl.u32 s11, $0x3  }
.Ltmp0:
0x10: {  	s17 =	sshrl.u32 s17, $0x3;
	s30 =	sshrl.u32 s29, $0x3;
	(pc) =	sbr.rel .LBB2_1-.Ltmp0, $4  }
0x11: {  	s31 =	sshrl.u32 s18, $0x3;
	s18 =	simm.s32 $0x200;
	s26 =	simm.s32 $0x0  }
0x12: {  	s6 =	sadd.s32 $0x40, s5;
	s9 =	sadd.s32 $0x80, s5;
	s10 =	sadd.s32 s2, s11  }
0x13: {  	s11 =	sadd.s32 $0xC0, s5;
	s12 =	sadd.s32 $0x31000, s8;
	s13 =	sadd.s32 s17, s2  }
0x14: {  	s15 =	sadd.s32 s30, s16;
	s16 =	sadd.s32 s31, s16;
	s17 =	simm.s32 $0x5  }
.LBB2_4:
0x15: {  	_ =	swait.ge [sflag:s23], $0x8000  }
0x16: {  	[sflag:s23] =	ssyncset.done $0x0  }
0x17: {  	s26 =	sadd.s32 $0x1, s26;
	[sflag:s23] =	ssyncadd.s32 $0xFFFF8000  }
0x18: {  	[hbm4b:s12+s3] =	stream.linear.scatter [tilespmem:s22], [sflag:$0x4], $0x8000, $0x38;
	[tilespmem:$0x10400] =	vst v63  }
0x19: {  	p0 =	sne.s32 s26, s7;
	_ =	swait.ge [sflag:s24], $0x8000  }
.Ltmp1:
0x1a: {  	[sflag:s24] =	ssyncset.done $0x0;
	(pc) =	sbr.rel @!p0 .LBB2_5-.Ltmp1, $4  }
0x1b: {  	[sflag:s24] =	ssyncadd.s32 $0xFFFF8000  }
0x1c: {  	_ =	swait.ge [sflag:s25], $0x8000  }
0x1d: {  	[sflag:s25] =	ssyncset.done $0x0  }
0x1e: {  	[sflag:s25] =	ssyncadd.s32 $0xFFFF8000  }
.LBB2_1:
0x1f: {  	[tilespmem:s3], [sflag:$0x5] =	stream.linear.gather [hbm4b:s5+s3], $0x200, $0x38;
	[tilespmem:$0x10400] =	vst v63  }
0x20: {  	_ =	swait.ge [sflag:s17], $0x200  }
0x21: {  	[sflag:s17] =	ssyncset.done $0x0  }
0x22: {  	[sflag:s17] =	ssyncadd.s32 $0xFFFFFE00  }
0x23: {  	[tilespmem:s19], [sflag:$0x1] =	stream.indirect.gather [hbm4b:s4+s18], $0x40, s3, s18, $0xb8;
	[tilespmem:$0x10400] =	vst v63  }
0x24: {  	_ = 	snop  }
0x25: {  	[tilespmem:s18], [sflag:$0x6] =	stream.linear.gather [hbm4b:s6+s3], $0x200, $0x38;
	[tilespmem:$0x10400] =	vst v63  }
0x26: {  	_ =	swait.ge [sflag:s20], $0x8000  }
0x27: {  	[sflag:s20] =	ssyncset.done $0x0  }
0x28: {  	[sflag:s20] =	ssyncadd.s32 $0xFFFF8000  }
0x29: {  	[hbm4b:s8+s3] =	stream.linear.scatter [tilespmem:s19], [sflag:$0x3], $0x8000, $0x38;
	[tilespmem:$0x10400] =	vst v63  }
0x2a: {  	_ =	swait.ge [sflag:s21], $0x200  }
0x2b: {  	[sflag:s21] =	ssyncset.done $0x0  }
0x2c: {  	[sflag:s21] =	ssyncadd.s32 $0xFFFFFE00  }
0x2d: {  	[tilespmem:s22], [sflag:$0x2] =	stream.indirect.gather [hbm4b:s4+s18], $0x40, s18, s18, $0xb8;
	[tilespmem:$0x10400] =	vst v63  }
0x2e: {  	_ = 	snop  }
0x2f: {  	[tilespmem:s3], [sflag:$0x5] =	stream.linear.gather [hbm4b:s9+s3], $0x200, $0x38;
	[tilespmem:$0x10400] =	vst v63  }
0x30: {  	_ =	swait.ge [sflag:s23], $0x8000  }
0x31: {  	[sflag:s23] =	ssyncset.done $0x0  }
0x32: {  	[sflag:s23] =	ssyncadd.s32 $0xFFFF8000  }
0x33: {  	[hbm4b:s10+s3] =	stream.linear.scatter [tilespmem:s22], [sflag:$0x4], $0x8000, $0x38;
	[tilespmem:$0x10400] =	vst v63  }
0x34: {  	_ =	swait.ge [sflag:s24], $0x8000  }
0x35: {  	[sflag:s24] =	ssyncset.done $0x0  }
0x36: {  	[sflag:s24] =	ssyncadd.s32 $0xFFFF8000  }
0x37: {  	_ =	swait.ge [sflag:s17], $0x200  }
0x38: {  	[sflag:s17] =	ssyncset.done $0x0  }
0x39: {  	[sflag:s17] =	ssyncadd.s32 $0xFFFFFE00  }
0x3a: {  	[tilespmem:s19], [sflag:$0x1] =	stream.indirect.gather [hbm4b:s4+s18], $0x40, s3, s18, $0xb8;
	[tilespmem:$0x10400] =	vst v63  }
0x3b: {  	s28 =	simm.s32 $0x0;
	s29 =	smov.u32 s14;
	s30 =	smov.u32 s13  }
0x3c: {  	[tilespmem:s18], [sflag:$0x6] =	stream.linear.gather [hbm4b:s11+s3], $0x200, $0x38;
	[tilespmem:$0x10400] =	vst v63  }
.LBB2_2:
0x3d: {  	_ =	swait.ge [sflag:s20], $0x8000  }
0x3e: {  	s31 =	sshrl.u32 s29, $0x3;
	[sflag:s20] =	ssyncset.done $0x0  }
0x3f: {  	s31 =	sadd.s32 s2, s31;
	[sflag:s20] =	ssyncadd.s32 $0xFFFF8000  }
0x40: {  	[hbm4b:s31+s3] =	stream.linear.scatter [tilespmem:s19], [sflag:$0x3], $0x8000, $0x38;
	[tilespmem:$0x10400] =	vst v63  }
0x41: {  	_ =	swait.ge [sflag:s25], $0x8000  }
0x42: {  	p0 =	seq.s32 s28, $0xB80;
	[sflag:s25] =	ssyncset.done $0x0  }
.Ltmp2:
0x43: {  	[sflag:s25] =	ssyncadd.s32 $0xFFFF8000;
	(pc) =	sbr.rel @p0 .LBB2_4-.Ltmp2, $4  }
0x44: {  	_ =	swait.ge [sflag:s21], $0x200  }
0x45: {  	[sflag:s21] =	ssyncset.done $0x0  }
0x46: {  	[sflag:s21] =	ssyncadd.s32 $0xFFFFFE00  }
0x47: {  	[tilespmem:s22], [sflag:$0x2] =	stream.indirect.gather [hbm4b:s4+s18], $0x40, s18, s18, $0xb8;
	[tilespmem:$0x10400] =	vst v63  }
0x48: {  	s31 =	sadd.s32 s28, s16  }
0x49: {  	[tilespmem:s3], [sflag:$0x5] =	stream.linear.gather [hbm4b:s31+s3], $0x200, $0x38;
	[tilespmem:$0x10400] =	vst v63  }
0x4a: {  	_ =	swait.ge [sflag:s23], $0x8000  }
0x4b: {  	[sflag:s23] =	ssyncset.done $0x0  }
0x4c: {  	[sflag:s23] =	ssyncadd.s32 $0xFFFF8000  }
0x4d: {  	[hbm4b:s30+s3] =	stream.linear.scatter [tilespmem:s22], [sflag:$0x4], $0x8000, $0x38;
	[tilespmem:$0x10400] =	vst v63  }
0x4e: {  	_ =	swait.ge [sflag:s24], $0x8000  }
0x4f: {  	[sflag:s24] =	ssyncset.done $0x0  }
0x50: {  	[sflag:s24] =	ssyncadd.s32 $0xFFFF8000  }
0x51: {  	_ =	swait.ge [sflag:s17], $0x200  }
.Ltmp3:
0x52: {  	[sflag:s17] =	ssyncset.done $0x0;
	(pc) =	sbr.rel .LBB2_2-.Ltmp3, $4  }
0x53: {  	s29 =	sadd.s32 $0x10000, s29;
	[sflag:s17] =	ssyncadd.s32 $0xFFFFFE00  }
0x54: {  	[tilespmem:s19], [sflag:$0x1] =	stream.indirect.gather [hbm4b:s4+s18], $0x40, s3, s18, $0xb8;
	[tilespmem:$0x10400] =	vst v63  }
0x55: {  	s31 =	sadd.s32 s28, s15;
	s28 =	sadd.s32 $0x80, s28;
	s30 =	sadd.s32 $0x2000, s30  }
0x56: {  	[tilespmem:s18], [sflag:$0x6] =	stream.linear.gather [hbm4b:s31+s3], $0x200, $0x38;
	[tilespmem:$0x10400] =	vst v63  }
.LBB2_5:
0x57: {  	_ =	sfence.sel $0x180000  }
0x58: {  	[bflag:$0x0] =	sbarrier.arrive $0xFFFF  }
0x59: {  	p0 =	sne.s32 s0, $0x0;
	_ =	strace $0x90000047  }
0x5a: {  	s0 =	sadd.s32 @!p0 $0x100000, s1;
	[bflag:$0x2] =	sbarrier.arrive $0xFFFF  }
0x5b: {  	[sflag:s0] =	ssyncadd.tile.s32 @!p0 $0x1;
	_ =	shalt  }
.Lfunc_end2:
_tile_overlayer_lowered:
.L_overlay_start_2:
0x5c: {  	(tag) =	ssettag $0x2  }
0x5d: {  	s0 =	rddreg [dreg:$0x0];
	s2 =	stileid.u32  }
0x5e: {  	s1 =	rddreg [dreg:$0x1];
	p0 =	sne.s32 s2, $0x0  }
0x5f: {  	s3 =	rddreg [dreg:$0x2];
	[bflag:$0x3] =	sbarrier.arrive $0xFFFF;
	s2 =	simm.s32 @!p0 $0x1C07  }
0x60: {  	[timem:s3], [sflag:s2] =	dma.local @!p0 [hbm:s0], s1  }
0x61: {  	s0 =	simm.s32 @!p0 $0x7  }
0x62: {  	_ =	swait.ge @!p0 [sflag:s0], s1  }
0x63: {  	s1 =	ssub.s32 @!p0 $0x0, s1;
	[sflag:s0] =	ssyncset.done @!p0 $0x0  }
0x64: {  	[sflag:s0] =	ssyncadd.s32 @!p0 s1  }
0x65: {  	[bflag:$0x3] =	sbarrier.arrive $0xFFFF  }
0x66: {  	_ =	shalt  }

// kernel: sparse-core-data-format-call.cloned.1.call-start
scs
called_computation_lowered:
.L_overlay_start_0:
0x0: {  	s2 =	sld [smem:$0x3FD9]  }
0x1: {  	s3 =	sld [smem:$0x3FFE];
	_ =	sdelay $0x1  }
0x2: {  	s1 =	srdreg.scid  }
0x3: {  	s0 =	sand.u32 $0x1, s1  }
0x4: {  	s18 =	sshll.u32 s0, $0xA;
	s2 =	sadd.s32 s3, s2  }
0x5: {  	s2 =	sadd.s32 s2, s18  }
0x6: {  	[smem:$0x3FC6] =	sst s2  }
0x7: {  	_ = 	snop  }
0x8: {  	s2 =	sld [smem:$0x3FD0];
	(tm) =	ssettm $0x1  }
0x9: {  	s19 =	sld [smem:$0x3FFB];
	_ =	sdelay $0x3  }
0xa: {  	_ =	strace s19  }
0xb: {  	s3 =	sld [smem:$0x3FFC];
	_ =	sdelay $0x3  }
0xc: {  	_ =	strace s3  }
0xd: {  	s3 =	sld [smem:$0x3FFD];
	_ =	sdelay $0x3  }
0xe: {  	_ =	strace s3  }
0xf: {  	_ =	strace $0x8FFFFFFF  }
0x10: {  	s20 =	sld [smem:$0x3FDB];
	_ =	sdelay $0x1  }
0x11: {  	s4 =	simm.s32 $_scs_section_size  }
0x12: {  	s5 =	simm.s32 $_size__tile_overlayer_lowered;
	s6 =	simm.s32 $_tile_overlayer_lowered  }
0x13: {  	s23 =	simm.s32 $0x1BFF;
	s22 =	sshll.u32 s6, $0x1;
	s3 =	sadd.s32 s4, s20  }
0x14: {  	s7 =	simm.s32 $0x0;
	s21 =	sshll.u32 s5, $0x1;
	s5 =	sadd.s32 s22, s3  }
0x15: {  	[timem:s7], [sflag:s23] =	dma.local [hbm:s5], s21  }
0x16: {  	_ =	swait.ge [sflag:s23], s21  }
0x17: {  	s4 =	ssub.s32 $0x0, s21;
	[sflag:s23] =	ssyncset.done $0x0  }
0x18: {  	[sflag:s23] =	ssyncadd.s32 s4;
	_ =	sdelay $0x1  }
0x19: {  	s24 =	simm.s32 $0x1B8B  }
0x1a: {  	_ =	swait.ge [sflag:s24], $0x1  }
0x1b: {  	[sflag:s24] =	ssyncset.done $0x0  }
0x1c: {  	s26 =	simm.s32 $0x1B8E;
	s25 =	sld [smem:$0x3FFE];
	[sflag:s24] =	ssyncadd.s32 $0xFFFFFFFF  }
0x1d: {  	s27 =	simm.s32 $execute0_lowered;
	[smem:$0x3FD2] =	sst s26  }
0x1e: {  	s5 =	sshll.u32 s27, $0x1;
	_ =	strace $0x80000049;
	[dreg:$0x1] =	wrdreg $0xFFFFFFFF  }
0x1f: {  	s28 =	simm.s32 $_size_execute0_lowered;
	s3 =	sadd.s32 s3, s5;
	[dreg:$0x0] =	wrdreg $0x0  }
0x20: {  	s5 =	sshll.u32 s28, $0x1;
	[dreg:$0x2] =	wrdreg s3  }
0x21: {  	[dreg:$0x3] =	wrdreg s5  }
0x22: {  	[dreg:$0x4] =	wrdreg $0xC0  }
0x23: {  	_ =	task [dreg:s7], $0x5FFFF  }
0x24: {  	[dreg:$0x1] =	wrdreg $0xFFFFFFFF  }
0x25: {  	[dreg:$0x0] =	wrdreg $0x60  }
0x26: {  	[dreg:$0x2] =	wrdreg s25  }
0x27: {  	[dreg:$0x3] =	wrdreg s2  }
0x28: {  	[dreg:$0x4] =	wrdreg $0x9  }
0x29: {  	_ =	task.clear_ibuf [dreg:s7], $0x5FFFF;
	_ =	strace $0x90000049  }
0x2a: {  	s29 =	simm.s32 $0x9;
	_ =	strace $0x8000004B  }
0x2b: {  	_ =	swait.ge [sflag:s29], $0x1  }
0x2c: {  	[sflag:s29] =	ssyncadd.s32 $0xFFFFFFFF  }
0x2d: {  	_ =	strace $0x9000004B  }
0x2e: {  	_ =	sfence  }
0x2f: {  	s30 =	sld [smem:$0x0];
	_ =	sdelay $0x2  }
0x30: {  	s31 =	sshll.u32 s1, $0xD;
	s1 =	sshrl.u32 s1, $0x2  }
0x31: {  	s3 =	sand.u32 $0x4000, s31;
	s1 =	sadd.s32 s1, s30  }
0x32: {  	s0 =	sor.u32 s3, s0;
	s1 =	sshll.u32 s1, $0x11  }
0x33: {  	s0 =	sor.u32 s1, s0  }
0x34: {  	s0 =	sadd.s32 $0x8F2B, s0  }
0x35: {  	[sflag:s0] =	ssyncadd.remote.s32 $0x1  }
0x36: {  	_ =	sfence.sel $0xFFFF  }
0x37: {  	[dreg:$0x0] =	wrdreg $0xFFFFFFFF;
	(pc) =	sbr.abs _section_cstart, $3  }
0x38: {  	[dreg:$0x1] =	wrdreg $0xFFFFFFFF  }
0x39: {  	_ =	task.clear_ibuf [dreg:s7], $0x2FFFF;
	_ =	strace $0x9FFFFFFF  }
0x3a: {  	(tm) =	ssettm $0x7FFFFFFF  }
0x3b: {  	_ =	shalt  }
tec
execute0_lowered:
.L_overlay_start_1:
0x0: {  	(tag) =	ssettag $0x1  }
0x1: {  	s0 =	srdreg.scid  }
0x2: {  	s1 =	sshll.u32 s0, $0x4  }
0x3: {  	s4 =	rddreg [dreg:$0x0];
	s0 =	stileid.u32;
	s1 =	sand.u32 $0x10, s1  }
0x4: {  	s2 =	rddreg [dreg:$0x1];
	s7 =	simm.s32 $0x1;
	s1 =	sor.u32 s0, s1  }
0x5: {  	s8 =	simm.s32 $0x2;
	s11 =	simm.s32 $0x0;
	s3 =	sshll.u32 s1, $0x7  }
0x6: {  	s10 =	simm.s32 $0x0;
	s4 =	sadd.s32 $0x800, s4;
	s6 =	ssub.s32 $0xC8000, s3  }
.Ltmp0:
0x7: {  	s1 =	rddreg [dreg:$0x2];
	s5 =	sand.u32 $0xF80, s6;
	(pc) =	sbr.rel .LBB1_1-.Ltmp0, $4  }
0x8: {  	_ =	strace $0x8000004A;
	s9 =	smov.u32 s3;
	p0 =	sne.s32 s5, $0x0  }
0x9: {  	s6 =	sshrl.u32 s6, $0xC;
	s5 =	simm.s32 $0x1;
	s7 =	simm.s32 @!p0 $0x0  }
0xa: {  	[sflag:s5] =	ssyncpa.u1 $0x0;
	p0 =	por $0x0, $0x0;
	s6 =	sadd.s32 s7, s6  }
0xb: {  	[sflag:s8] =	ssyncpa.u1 $0x0;
	s8 =	simm.s32 $0x640000;
	s7 =	sadd.s32 $0x1, s6  }
.LBB1_4:
0xc: {  	s14 =	sshll.u32 s11, $0x3  }
0xd: {  	s30 =	sand.u32 $0x7F, s11;
	s15 =	sand.u32 $0xFFFFFC00, s14  }
0xe: {  	s11 =	sor.u32 s30, s15  }
0xf: {  	s15 =	smulhi.u32 $0x51EB851F, s11  }
0x10: {  	s14 =	smulhi.u32 $0x51EB851F, s14  }
0x11: {  	s15 =	sshrl.u32 s15, $0x12  }
0x12: {  	s14 =	sshrl.u32 s14, $0x12;
	s15 =	smul.u32 $0xC8000, s15  }
0x13: {  	s14 =	sand.u32 $0x3F, s14  }
0x14: {  	s14 =	smul.u32 $0x19000, s14;
	s11 =	ssub.s32 s11, s15  }
0x15: {  	[tilespmem:s13+$0x810 ss:$0x81] =	vst.msk $0xffff, v2;
	s15 =	sand.u32 $0x7, s11  }
0x16: {  	[tilespmem:s13+$0x1020 ss:$0x81] =	vst.msk $0xffff, v0;
	s14 =	sadd.s32 s2, s14;
	s11 =	sshrl.u32 s11, $0x3;
	s15 =	sshll.u32 s15, $0x12  }
0x17: {  	[tilespmem:s13+$0x0 ss:$0x81] =	vst.msk $0xffff, v1;
	s11 =	sadd.s32 s11, s14;
	s31 =	sor.u32 $0x400, s15  }
0x18: {  	[hbm4b:s11+s31] =	stream.strided.scatter [tilespmem:s12], [sflag:$0x2], $0x2000, s8, s31, $0x20;
	[tilespmem:$0x8080] =	vst v63  }
.LBB1_5:
0x19: {  	s13 =	sadd.s32 $0x1000, s9  }
0x1a: {  	p2 =	sgt.s32 s13, $0xC7FFF  }
0x1b: {  	s13 =	smov.u32 @p2 s3;
	p2 =	sne.s32 s10, s7  }
.Ltmp1:
0x1c: {  	p1 =	slt.u32 s10, $0x2;
	(pc) =	sbr.rel @!p2 .LBB1_6-.Ltmp1, $4  }
0x1d: {  	s12 =	simm.s32 @!p1 $0x2  }
0x1e: {  	s14 =	sadd.s32 $0x1, s10;
	_ =	swait.ge @!p1 [sflag:s12], $0x2000  }
0x1f: {  	s11 =	smov.u32 s9;
	p0 =	por !p0, !p0;
	[sflag:s12] =	ssyncset.done @!p1 $0x0  }
0x20: {  	s10 =	smov.u32 s14;
	s9 =	smov.u32 s13;
	[sflag:s12] =	ssyncadd.s32 @!p1 $0xFFFFE000  }
.LBB1_1:
0x21: {  	p1 =	sge.u32 s10, s6  }
0x22: {  	s12 =	sand.u32 @!p1 $0x1FFFFFF, s9  }
0x23: {  	s13 =	smulhi.u32 @!p1 $0x147AE15, s12;
	_ =	sdelay $0x1  }
0x24: {  	s13 =	sshrl.u32 @!p1 s13, $0xC  }
0x25: {  	s13 =	smul.u32 @!p1 $0xC8000, s13;
	_ =	sdelay $0x1  }
0x26: {  	s31 =	sadd.s32 $0xFFFFFFFF, s10;
	s14 =	sxor.u32 @!p1 $0xFFFFFFFF, s10;
	s12 =	ssub.s32 @!p1 s12, s13  }
0x27: {  	s15 =	simm.s32 @!p1 $0x80;
	s14 =	sshll.u32 @!p1 s14, $0xD;
	s12 =	sshll.u32 @!p1 s12, $0x4  }
0x28: {  	s13 =	sand.u32 @!p1 $0x2000, s14;
	s14 =	simm.s32 @!p1 $0x40;
	s12 =	sadd.s32 @!p1 s4, s12  }
0x29: {  	[tilespmem:s13], [sflag:$0x1] =	stream.strided.gather @!p1 [hbm4b:s12+s14], $0x2000, s15, s14, $0x38;
	[tilespmem:$0x8080] =	vst v63  }
0x2a: {  	p1 =	sge.u32 s31, s6  }
.Ltmp2:
0x2b: {  	_ = 	snop;
	(pc) =	sbr.rel @p1 .LBB1_5-.Ltmp2, $1  }
0x2c: {  	_ =	sdelay $0x3  }
0x2d: {  	s12 =	simm.s32 $0x1  }
0x2e: {  	_ =	swait.ge [sflag:s5], $0x2000;
	s12 =	simm.s32 @!p0 $0x0  }
0x2f: {  	[sflag:s5] =	ssyncset.done $0x0;
	s13 =	sshll.u32 s12, $0xD  }
0x30: {  	[sflag:s5] =	ssyncadd.s32 $0xFFFFE000;
	s16 =	sor.u32 $0x20, s13  }
0x31: {  	s12 =	smul.u32 $0x8100, s12;
	v3 =	vld [tilespmem:s16+$0x10]  }
0x32: {  	s30 =	sand.u32 $0x1, s10;
	v2 =	vld [tilespmem:s16+$0xFFFFFFF0]  }
0x33: {  	s13 =	smul.u32 $0x8100, s30;
	s12 =	sshrl.u32 s12, $0x2;
	v0 =	vld [tilespmem:s16+$0x0]  }
0x34: {  	v1 =	vld [tilespmem:s16+$0xFFFFFFE0];
	s14 =	sor.u32 $0x4000, s12  }
0x35: {  	s31 =	sshrl.u32 s13, $0x2;
	s13 =	sadd.s32 $0x0, s14  }
0x36: {  	s15 =	simm.s32 $0x4;
	s16 =	sadd.s32 $0x40, s16;
	s12 =	sor.u32 $0x4000, s31;
	[tilespmem:s13+$0x1830 ss:$0x81] =	vst.msk $0xffff, v3  }
.LBB1_3:
0x37: {  	v3 =	vld [tilespmem:s16+$0x10];
	p1 =	sne.s32 s15, $0x1FC;
	[tilespmem:s13+$0x810 ss:$0x81] =	vst.msk $0xffff, v2;
	s17 =	smov.u32 s15;
	s15 =	sadd.s32 $0x4, s15  }
.Ltmp3:
0x38: {  	v2 =	vld [tilespmem:s16+$0xFFFFFFF0];
	[tilespmem:s13+$0x1020 ss:$0x81] =	vst.msk $0xffff, v0;
	(pc) =	sbr.rel @p1 .LBB1_3-.Ltmp3, $4  }
0x39: {  	v0 =	vld [tilespmem:s16+$0x0];
	[tilespmem:s13+$0x0 ss:$0x81] =	vst.msk $0xffff, v1  }
0x3a: {  	s13 =	sshra.s32 s17, $0x2;
	v1 =	vld [tilespmem:s16+$0xFFFFFFE0]  }
0x3b: {  	s13 =	sadd.s32 s13, s14  }
0x3c: {  	s16 =	sadd.s32 $0x40, s16;
	[tilespmem:s13+$0x1830 ss:$0x81] =	vst.msk $0xffff, v3  }
.Ltmp4:
0x3d: {  	_ = 	snop;
	(pc) =	sbr.rel .LBB1_4-.Ltmp4, $1  }
0x3e: {  	_ =	sdelay $0x3  }
.LBB1_6:
0x3f: {  	_ =	sfence.sel $0x180000  }
0x40: {  	s2 =	simm.s32 $0x1;
	[bflag:$0x0] =	sbarrier.arrive $0xFFFF  }
0x41: {  	s31 =	simm.s32 $0x2;
	[sflag:s2] =	ssyncpa.u1 $0x1  }
0x42: {  	[sflag:s31] =	ssyncpa.u1 $0x1  }
0x43: {  	p0 =	sne.s32 s0, $0x0;
	_ =	strace $0x9000004A  }
0x44: {  	s0 =	sadd.s32 @!p0 $0x100000, s1;
	[bflag:$0x2] =	sbarrier.arrive $0xFFFF  }
0x45: {  	[sflag:s0] =	ssyncadd.tile.s32 @!p0 $0x1;
	_ =	shalt  }
.Lfunc_end1:
_tile_overlayer_lowered:
.L_overlay_start_2:
0x46: {  	(tag) =	ssettag $0x2  }
0x47: {  	s0 =	rddreg [dreg:$0x0];
	s2 =	stileid.u32  }
0x48: {  	s1 =	rddreg [dreg:$0x1];
	p0 =	sne.s32 s2, $0x0  }
0x49: {  	s3 =	rddreg [dreg:$0x2];
	[bflag:$0x3] =	sbarrier.arrive $0xFFFF;
	s2 =	simm.s32 @!p0 $0x1C01  }
0x4a: {  	[timem:s3], [sflag:s2] =	dma.local @!p0 [hbm:s0], s1  }
0x4b: {  	s0 =	simm.s32 @!p0 $0x1  }
0x4c: {  	_ =	swait.ge @!p0 [sflag:s0], s1  }
0x4d: {  	s1 =	ssub.s32 @!p0 $0x0, s1;
	[sflag:s0] =	ssyncset.done @!p0 $0x0  }
0x4e: {  	[sflag:s0] =	ssyncadd.s32 @!p0 s1  }
0x4f: {  	[bflag:$0x3] =	sbarrier.arrive $0xFFFF  }
0x50: {  	_ =	shalt  }

</sc_bundles>
